<compile_context>
chip_gen: v7x
topology: tpu7x:2x2x1
jax: 0.10.2.dev20260603
libtpu: 0.0.44.dev20260713+nightly
codegen_flags: <defaults>
</compile_context>

<pallas_src>
import dataclasses
import functools

import jax
import jax.numpy as jnp
from jax import lax
from jax.experimental import pallas as pl
from jax.experimental.pallas import tpu as pltpu
from jax.experimental.pallas import tpu_sc as plsc

_NUM_EMB = 1027
_PAD_IDX = _NUM_EMB - 1
_EMB = 128
_L = 512
_PAD_TOKEN = 3


def _tc_prep_kernel(x_ref, table_ref, starts_ref, text_ref):
    npad = jnp.sum((x_ref[...] == _PAD_TOKEN).astype(jnp.int32), axis=1)
    starts_ref[...] = _L - npad
    pad_row = table_ref[_PAD_IDX, :]
    text_ref[0:_L, :] = jnp.broadcast_to(pad_row[None, :], (_L, _EMB))
    text_ref[_L : 2 * _L, :] = table_ref[0:_L, :]


_ROW = _L * _EMB
_NC, _NS = 2, 16
_LANES = 16
_K = 128
_TT = (2 * _L - _K) * _EMB
_A = 23


def _sc_copy(text, starts, B):
    mesh = plsc.VectorSubcoreMesh(core_axis_name="c", subcore_axis_name="s")
    rpw = B // (_NC * _NS)

    cp = pltpu.CompilerParams()
    if "needs_layout_passes" in pltpu.CompilerParams.__dataclass_fields__:
        cp = dataclasses.replace(cp, needs_layout_passes=False)

    @functools.partial(
        pl.kernel,
        out_type=jax.ShapeDtypeStruct((B * _ROW,), text.dtype),
        mesh=mesh,
        compiler_params=cp,
        scratch_types=[
            pltpu.VMEM_SHARED((2 * _L * _EMB,), jnp.float32),
            pltpu.VMEM((_TT,), jnp.float32),
            pltpu.VMEM((rpw,), jnp.int32),
            pltpu.SemaphoreType.DMA,
            pltpu.SemaphoreType.DMA,
        ],
    )
    def run(text_hbm, starts_hbm, out_hbm, text_sp, text_tile_flat, s_vmem,
            sem_in, sem):
        cid = lax.axis_index("c")
        sid = lax.axis_index("s")
        wid = cid * _NS + sid
        base = wid * rpw

        @pl.when(sid == 0)
        def _stage():
            pltpu.async_copy(text_hbm, text_sp, sem_in)

        pltpu.async_copy(
            text_hbm.at[pl.ds(_K * _EMB, _TT)], text_tile_flat, sem_in
        )

        pltpu.async_copy(starts_hbm.at[pl.ds(base, rpw)], s_vmem, sem).wait()

        @pl.when(sid == 0)
        def _wait_stage():
            pltpu.make_async_copy(text_hbm, text_sp, sem_in).wait()

        pltpu.make_async_copy(
            text_hbm.at[pl.ds(_K * _EMB, _TT)], text_tile_flat, sem_in
        ).wait()

        plsc.subcore_barrier()

        lane_iota = lax.broadcasted_iota(jnp.int32, (16,), 0)

        @pl.loop(0, rpw)
        def _fire(i):
            svec = s_vmem[pl.ds((i // 16) * 16, 16)]
            s = jnp.sum(jnp.where(lane_iota == i % 16, svec, 0))
            dst = out_hbm.at[pl.ds((base + i) * _ROW, _ROW)]

            @pl.when(jnp.logical_and(i >= _A, s >= _K))
            def _from_tile():
                pltpu.async_copy(
                    text_tile_flat.at[pl.ds((s - _K) * _EMB, _ROW)], dst, sem
                )

            @pl.when(jnp.logical_or(i < _A, s < _K))
            def _from_spmem():
                pltpu.async_copy(
                    text_sp.at[pl.ds(s * _EMB, _ROW)], dst, sem
                )

        @pl.loop(0, rpw)
        def _drain(i):
            pltpu.make_async_copy(
                text_hbm.at[pl.ds(0, _ROW)],
                out_hbm.at[pl.ds((base + i) * _ROW, _ROW)],
                sem,
            ).wait()

    flat = run(text.reshape(-1), starts)
    return flat.reshape(B, _L, _EMB)


def kernel(x, table):
    B, L = x.shape
    starts, text = pl.pallas_call(
        _tc_prep_kernel,
        grid=(1,),
        in_specs=[
            pl.BlockSpec((B, L), lambda i: (0, 0)),
            pl.BlockSpec((_NUM_EMB, _EMB), lambda i: (0, 0)),
        ],
        out_specs=[
            pl.BlockSpec((B,), lambda i: (0,)),
            pl.BlockSpec((2 * _L, _EMB), lambda i: (0, 0)),
        ],
        out_shape=[
            jax.ShapeDtypeStruct((B,), jnp.int32),
            jax.ShapeDtypeStruct((2 * _L, _EMB), table.dtype),
        ],
    )(x, table)
    return _sc_copy(text, starts, B)

# --- scband reference (transcript-rebuilt; emitter-appended) ---
"""Pipeline reference for scband-learned-pos-embedding-87763361726612 (READ-ONLY COPY).

The authoritative reference and input builder live on the scoring server;
editing this copy changes nothing except your own understanding.
"""

import jax, jax.numpy as jnp
import numpy as np

NUM_EMB = 1026 + 1  # module adds 1 internally
PAD_IDX = NUM_EMB - 1
EMB_DIM = 128
B, L = 1024, 512
PAD_TOKEN = 3


def setup_inputs(seed: int = 0) -> dict:
    key = jax.random.key(seed)
    k1, k2 = jax.random.split(key)
    x = jax.random.randint(k1, (B, L), 0, 100, dtype=jnp.int32)
    table = jax.random.normal(k2, (NUM_EMB, EMB_DIM), dtype=jnp.float32)
    # nn.Embedding with padding_idx zero-initializes that row
    table = table.at[PAD_IDX].set(0.0)
    return {"x": x, "table": table}


def reference(x, table):
    # Original forward builds, per row: [new_pad_idx] * n_pad  ++  range(n_nonpad)
    # (pads counted wherever they are, but placed at the front of the pos row)
    n_pad = jnp.sum(x == PAD_TOKEN, axis=1)  # [B]
    j = jnp.arange(L, dtype=jnp.int32)[None, :]  # [1, L]
    pos = jnp.where(j < n_pad[:, None], PAD_IDX, j - n_pad[:, None])  # [B, L]
    return jnp.take(table, pos, axis=0)  # [B, L, EMB_DIM]

if __name__ == "__main__":
    import jax
    _d = setup_inputs()
    print(jax.jit(kernel)(*tuple(_d.values())))

</pallas_src>

<mosaic_0001>
#map = affine_map<(d0, d1) -> (0)>
module attributes {stable_mosaic.version = 14 : i64} {
  func.func @run(%arg0: i32, %arg1: i32, %arg2: memref<131072xf32, #tpu.memory_space<hbm>>, %arg3: memref<1024xi32, #tpu.memory_space<hbm>>, %arg4: memref<67108864xf32, #tpu.memory_space<hbm>>, %arg5: memref<131072xf32, #tpu.memory_space<vmem_shared>>, %arg6: memref<114688xf32, #tpu.memory_space<vmem>>, %arg7: memref<32xi32, #tpu.memory_space<vmem>>, %arg8: memref<!tpu.dma_semaphore, #tpu.memory_space<semaphore_mem>>, %arg9: memref<!tpu.dma_semaphore, #tpu.memory_space<semaphore_mem>>) attributes {dimension_semantics = [#tpu.dimension_semantics<core_parallel>, #tpu.dimension_semantics<subcore_parallel>], iteration_bounds = array<i64: 2, 16>, scalar_prefetch = 0 : i64, scratch_operands = 5 : i64, tpu.core_type = #tpu.core_type<sc_vector_subcore>, window_params = [{transform_indices = #map}, {transform_indices = #map}, {transform_indices = #map}]} {
    %mul3A = arith.constant 16 : i32
    %mul3A_0 = arith.muli %arg0, %mul3A : i32
    %add3A = arith.addi %mul3A_0, %arg1 : i32
    %mul3A_1 = arith.constant 32 : i32
    %mul3A_2 = arith.muli %add3A, %mul3A_1 : i32
    %eq3A = arith.constant 0 : i32
    %eq3A_3 = arith.cmpi eq, %arg1, %eq3A : i32
    %convert_element_type3A = arith.extui %eq3A_3 : i1 to i32
    %cond3A = arith.constant 0 : i32
    %cond3A_4 = arith.cmpi ne, %convert_element_type3A, %cond3A : i32
    scf.if %cond3A_4 {
      tpu.enqueue_dma source(%arg2 : memref<131072xf32, #tpu.memory_space<hbm>>) target(%arg5 : memref<131072xf32, #tpu.memory_space<vmem_shared>>) target_semaphore(%arg8 : memref<!tpu.dma_semaphore, #tpu.memory_space<semaphore_mem>>)
    } else {
    }
    %dma_start3A = arith.constant 16384 : i32
    %dma_start3A_5 = tpu.memref_slice %arg2[%dma_start3A] : memref<131072xf32, #tpu.memory_space<hbm>> -> memref<114688xf32, #tpu.memory_space<hbm>>
    %dma_start3A_6 = arith.constant 16384 : i32
    %dma_start3A_7 = tpu.memref_slice %arg2[%dma_start3A_6] : memref<131072xf32, #tpu.memory_space<hbm>> -> memref<114688xf32, #tpu.memory_space<hbm>>
    tpu.enqueue_dma source(%dma_start3A_7 : memref<114688xf32, #tpu.memory_space<hbm>>) target(%arg6 : memref<114688xf32, #tpu.memory_space<vmem>>) target_semaphore(%arg8 : memref<!tpu.dma_semaphore, #tpu.memory_space<semaphore_mem>>)
    %dma_start3A_8 = tpu.memref_slice %arg3[%mul3A_2] : memref<1024xi32, #tpu.memory_space<hbm>> -> memref<32xi32, #tpu.memory_space<hbm>>
    %dma_start3A_9 = tpu.memref_slice %arg3[%mul3A_2] : memref<1024xi32, #tpu.memory_space<hbm>> -> memref<32xi32, #tpu.memory_space<hbm>>
    tpu.enqueue_dma source(%dma_start3A_9 : memref<32xi32, #tpu.memory_space<hbm>>) target(%arg7 : memref<32xi32, #tpu.memory_space<vmem>>) target_semaphore(%arg9 : memref<!tpu.dma_semaphore, #tpu.memory_space<semaphore_mem>>)
    %dma_wait3A = tpu.memref_slice %arg3[%mul3A_2] : memref<1024xi32, #tpu.memory_space<hbm>> -> memref<32xi32, #tpu.memory_space<hbm>>
    %dma_wait3A_10 = tpu.memref_slice %arg3[%mul3A_2] : memref<1024xi32, #tpu.memory_space<hbm>> -> memref<32xi32, #tpu.memory_space<hbm>>
    tpu.wait_dma2 semaphore(%arg9 : memref<!tpu.dma_semaphore, #tpu.memory_space<semaphore_mem>>) src(%dma_wait3A_10 : memref<32xi32, #tpu.memory_space<hbm>>) dst(%arg7 : memref<32xi32, #tpu.memory_space<vmem>>)
    %eq3A_11 = arith.constant 0 : i32
    %eq3A_12 = arith.cmpi eq, %arg1, %eq3A_11 : i32
    %convert_element_type3A_13 = arith.extui %eq3A_12 : i1 to i32
    %cond3A_14 = arith.constant 0 : i32
    %cond3A_15 = arith.cmpi ne, %convert_element_type3A_13, %cond3A_14 : i32
    scf.if %cond3A_15 {
      tpu.wait_dma2 semaphore(%arg8 : memref<!tpu.dma_semaphore, #tpu.memory_space<semaphore_mem>>) src(%arg2 : memref<131072xf32, #tpu.memory_space<hbm>>) dst(%arg5 : memref<131072xf32, #tpu.memory_space<vmem_shared>>)
    } else {
    }
    %dma_wait3A_16 = arith.constant 16384 : i32
    %dma_wait3A_17 = tpu.memref_slice %arg2[%dma_wait3A_16] : memref<131072xf32, #tpu.memory_space<hbm>> -> memref<114688xf32, #tpu.memory_space<hbm>>
    %dma_wait3A_18 = arith.constant 16384 : i32
    %dma_wait3A_19 = tpu.memref_slice %arg2[%dma_wait3A_18] : memref<131072xf32, #tpu.memory_space<hbm>> -> memref<114688xf32, #tpu.memory_space<hbm>>
    tpu.wait_dma2 semaphore(%arg8 : memref<!tpu.dma_semaphore, #tpu.memory_space<semaphore_mem>>) src(%dma_wait3A_19 : memref<114688xf32, #tpu.memory_space<hbm>>) dst(%arg6 : memref<114688xf32, #tpu.memory_space<vmem>>)
    %barrier3A = arith.constant 0 : index
    tpu.barrier barrier_id(%barrier3A)
    %iota3A = tpu.iota {dimensions = array<i32: 0>} : vector<16xi32>
    %scan3A = arith.constant 0 : i32
    %scan3A_20 = arith.constant 32 : i32
    %scan3A_21 = arith.addi %scan3A, %scan3A_20 : i32
    %scan3A_22 = arith.constant 1 : i32
    scf.for %scan3A_29 = %scan3A to %scan3A_21 step %scan3A_22  : i32 {
      %mul3A_30 = arith.constant 1 : i32
      %mul3A_31 = arith.muli %scan3A_29, %mul3A_30 : i32
      %add3A_32 = arith.constant 0 : i32
      %add3A_33 = arith.addi %add3A_32, %mul3A_31 : i32
      %jit3A = arith.constant 16 : i32
      %div3A = arith.divsi %add3A_33, %jit3A : i32
      %sign3A = arith.constant 0 : i32
      %sign3A_34 = arith.cmpi sgt, %add3A_33, %sign3A : i32
      %sign3A_35 = arith.extui %sign3A_34 : i1 to i32
      %sign3A_36 = arith.constant 0 : i32
      %sign3A_37 = arith.cmpi slt, %add3A_33, %sign3A_36 : i32
      %sign3A_38 = arith.extui %sign3A_37 : i1 to i32
      %sign3A_39 = arith.subi %sign3A_35, %sign3A_38 : i32
      %sign3A_40 = arith.constant 0 : i32
      %sign3A_41 = arith.cmpi sgt, %jit3A, %sign3A_40 : i32
      %sign3A_42 = arith.extui %sign3A_41 : i1 to i32
      %sign3A_43 = arith.constant 0 : i32
      %sign3A_44 = arith.cmpi slt, %jit3A, %sign3A_43 : i32
      %sign3A_45 = arith.extui %sign3A_44 : i1 to i32
      %sign3A_46 = arith.subi %sign3A_42, %sign3A_45 : i32
      %ne3A = arith.cmpi ne, %sign3A_39, %sign3A_46 : i32
      %rem3A = arith.remsi %add3A_33, %jit3A : i32
      %ne3A_47 = arith.constant 0 : i32
      %ne3A_48 = arith.cmpi ne, %rem3A, %ne3A_47 : i32
      %and3A = arith.andi %ne3A, %ne3A_48 : i1
      %sub3A = arith.constant 1 : i32
      %sub3A_49 = arith.subi %div3A, %sub3A : i32
      %select_n3A = arith.select %and3A, %sub3A_49, %div3A : i32
      %mul3A_50 = arith.constant 16 : i32
      %mul3A_51 = arith.muli %select_n3A, %mul3A_50 : i32
      %get3A = arith.index_cast %mul3A_51 : i32 to index
      %get3A_52 = tpu.vector_load %arg7[%get3A] {strides = array<i32>} : memref<32xi32, #tpu.memory_space<vmem>>, vector<16xi32>,
      %jit3A_53 = arith.constant 16 : i32
      %eq3A_54 = arith.constant 0 : i32
      %eq3A_55 = arith.cmpi eq, %jit3A_53, %eq3A_54 : i32
      %jit3A_56 = arith.constant 1 : i32
      %select_n3A_57 = arith.select %eq3A_55, %jit3A_56, %jit3A_53 : i32
      %rem3A_58 = arith.remsi %add3A_33, %select_n3A_57 : i32
      %ne3A_59 = arith.constant 0 : i32
      %ne3A_60 = arith.cmpi ne, %rem3A_58, %ne3A_59 : i32
      %lt3A = arith.constant 0 : i32
      %lt3A_61 = arith.cmpi slt, %rem3A_58, %lt3A : i32
      %lt3A_62 = arith.constant 0 : i32
      %lt3A_63 = arith.cmpi slt, %select_n3A_57, %lt3A_62 : i32
      %ne3A_64 = arith.xori %lt3A_61, %lt3A_63 : i1
      %and3A_65 = arith.andi %ne3A_64, %ne3A_60 : i1
      %add3A_66 = arith.addi %rem3A_58, %select_n3A_57 : i32
      %select_n3A_67 = arith.select %and3A_65, %add3A_66, %rem3A_58 : i32
      %eq3A_68 = vector.broadcast %select_n3A_67 : i32 to vector<16xi32>
      %eq3A_69 = arith.cmpi eq, %iota3A, %eq3A_68 : vector<16xi32>
      %jit3A_70 = arith.constant 0 : i32
      %broadcast_in_dim3A = vector.broadcast %jit3A_70 : i32 to vector<16xi32>
      %select_n3A_71 = arith.select %eq3A_69, %get3A_52, %broadcast_in_dim3A : vector<16xi1>, vector<16xi32>
      %reduce_sum3A = arith.constant true
      %reduce_sum3A_72 = vector.broadcast %reduce_sum3A : i1 to vector<16xi1>
      %reduce_sum3A_73 = tpu.scan <sum>, %select_n3A_71 masked %reduce_sum3A_72 : vector<16xi32>, vector<16xi1> -> vector<16xi32>
      %reduce_sum3A_74 = vector.extract %reduce_sum3A_73[15] : i32 from vector<16xi32>
      %add3A_75 = arith.addi %mul3A_2, %add3A_33 : i32
      %mul3A_76 = arith.constant 65536 : i32
      %mul3A_77 = arith.muli %add3A_75, %mul3A_76 : i32
      %ge3A = arith.constant 23 : i32
      %ge3A_78 = arith.cmpi sge, %add3A_33, %ge3A : i32
      %ge3A_79 = arith.constant 128 : i32
      %ge3A_80 = arith.cmpi sge, %reduce_sum3A_74, %ge3A_79 : i32
      %and3A_81 = arith.andi %ge3A_78, %ge3A_80 : i1
      %convert_element_type3A_82 = arith.extui %and3A_81 : i1 to i32
      %cond3A_83 = arith.constant 0 : i32
      %cond3A_84 = arith.cmpi ne, %convert_element_type3A_82, %cond3A_83 : i32
      scf.if %cond3A_84 {
        %sub3A_92 = arith.constant 128 : i32
        %sub3A_93 = arith.subi %reduce_sum3A_74, %sub3A_92 : i32
        %mul3A_94 = arith.constant 128 : i32
        %mul3A_95 = arith.muli %sub3A_93, %mul3A_94 : i32
        %dma_start3A_96 = tpu.memref_slice %arg6[%mul3A_95] : memref<114688xf32, #tpu.memory_space<vmem>> -> memref<65536xf32, #tpu.memory_space<vmem>>
        %dma_start3A_97 = tpu.memref_slice %arg4[%mul3A_77] : memref<67108864xf32, #tpu.memory_space<hbm>> -> memref<65536xf32, #tpu.memory_space<hbm>>
        %dma_start3A_98 = tpu.memref_slice %arg4[%mul3A_77] : memref<67108864xf32, #tpu.memory_space<hbm>> -> memref<65536xf32, #tpu.memory_space<hbm>>
        %dma_start3A_99 = tpu.memref_slice %arg6[%mul3A_95] : memref<114688xf32, #tpu.memory_space<vmem>> -> memref<65536xf32, #tpu.memory_space<vmem>>
        tpu.enqueue_dma source(%dma_start3A_99 : memref<65536xf32, #tpu.memory_space<vmem>>) target(%dma_start3A_98 : memref<65536xf32, #tpu.memory_space<hbm>>) target_semaphore(%arg9 : memref<!tpu.dma_semaphore, #tpu.memory_space<semaphore_mem>>)
      } else {
      }
      %lt3A_85 = arith.constant 23 : i32
      %lt3A_86 = arith.cmpi slt, %add3A_33, %lt3A_85 : i32
      %lt3A_87 = arith.constant 128 : i32
      %lt3A_88 = arith.cmpi slt, %reduce_sum3A_74, %lt3A_87 : i32
      %or3A = arith.ori %lt3A_86, %lt3A_88 : i1
      %convert_element_type3A_89 = arith.extui %or3A : i1 to i32
      %cond3A_90 = arith.constant 0 : i32
      %cond3A_91 = arith.cmpi ne, %convert_element_type3A_89, %cond3A_90 : i32
      scf.if %cond3A_91 {
        %mul3A_92 = arith.constant 128 : i32
        %mul3A_93 = arith.muli %reduce_sum3A_74, %mul3A_92 : i32
        %dma_start3A_94 = tpu.memref_slice %arg4[%mul3A_77] : memref<67108864xf32, #tpu.memory_space<hbm>> -> memref<65536xf32, #tpu.memory_space<hbm>>
        %dma_start3A_95 = tpu.memref_slice %arg5[%mul3A_93] : memref<131072xf32, #tpu.memory_space<vmem_shared>> -> memref<65536xf32, #tpu.memory_space<vmem_shared>>
        tpu.enqueue_dma source(%dma_start3A_95 : memref<65536xf32, #tpu.memory_space<vmem_shared>>) target(%dma_start3A_94 : memref<65536xf32, #tpu.memory_space<hbm>>) target_semaphore(%arg9 : memref<!tpu.dma_semaphore, #tpu.memory_space<semaphore_mem>>)
      } else {
      }
    }
    %scan3A_23 = arith.constant 32 : i32
    %scan3A_24 = arith.constant 0 : i32
    %scan3A_25 = arith.constant 32 : i32
    %scan3A_26 = arith.addi %scan3A_24, %scan3A_25 : i32
    %scan3A_27 = arith.constant 1 : i32
    scf.for %scan3A_29 = %scan3A_24 to %scan3A_26 step %scan3A_27  : i32 {
      %mul3A_30 = arith.constant 1 : i32
      %mul3A_31 = arith.muli %scan3A_29, %mul3A_30 : i32
      %add3A_32 = arith.constant 0 : i32
      %add3A_33 = arith.addi %add3A_32, %mul3A_31 : i32
      %add3A_34 = arith.addi %mul3A_2, %add3A_33 : i32
      %mul3A_35 = arith.constant 65536 : i32
      %mul3A_36 = arith.muli %add3A_34, %mul3A_35 : i32
      %dma_wait3A_37 = tpu.memref_slice %arg4[%mul3A_36] : memref<67108864xf32, #tpu.memory_space<hbm>> -> memref<65536xf32, #tpu.memory_space<hbm>>
      %dma_wait3A_38 = arith.constant 0 : i32
      %dma_wait3A_39 = tpu.memref_slice %arg2[%dma_wait3A_38] : memref<131072xf32, #tpu.memory_space<hbm>> -> memref<65536xf32, #tpu.memory_space<hbm>>
      tpu.wait_dma2 semaphore(%arg9 : memref<!tpu.dma_semaphore, #tpu.memory_space<semaphore_mem>>) src(%dma_wait3A_39 : memref<65536xf32, #tpu.memory_space<hbm>>) dst(%dma_wait3A_37 : memref<65536xf32, #tpu.memory_space<hbm>>)
    }
    %scan3A_28 = arith.constant 32 : i32
    return
  }
}

module attributes {stable_mosaic.version = 14 : i64} {
  func.func @_tc_prep_kernel(%arg0: i32, %arg1: memref<1024x512xi32, #tpu.memory_space<vmem>>, %arg2: memref<1027x128xf32, #tpu.memory_space<vmem>>, %arg3: memref<1024xi32, #tpu.memory_space<vmem>>, %arg4: memref<1024x128xf32, #tpu.memory_space<vmem>>) attributes {dimension_semantics = [#tpu.dimension_semantics<arbitrary>], iteration_bounds = array<i64: 1>, scalar_prefetch = 0 : i64, scratch_operands = 0 : i64, tpu.core_type = #tpu.core_type<tc>, window_params = [{pipeline_mode = #tpu.pipeline_mode<synchronous>, transform_indices = @transform_0, window_bounds = array<i64: 1024, 512>}, {pipeline_mode = #tpu.pipeline_mode<synchronous>, transform_indices = @transform_1, window_bounds = array<i64: 1027, 128>}, {pipeline_mode = #tpu.pipeline_mode<synchronous>, transform_indices = @transform_2, window_bounds = array<i64: 1024>}, {pipeline_mode = #tpu.pipeline_mode<synchronous>, transform_indices = @transform_3, window_bounds = array<i64: 1024, 128>}]} {
    %get3A = arith.constant 0 : index
    %get3A_0 = arith.constant 0 : index
    %get3A_1 = vector.load %arg1[%get3A, %get3A_0] : memref<1024x512xi32, #tpu.memory_space<vmem>>, vector<1024x512xi32>
    %eq3A = arith.constant 3 : i32
    %eq3A_2 = vector.broadcast %eq3A : i32 to vector<1024x512xi32>
    %eq3A_3 = arith.cmpi eq, %get3A_1, %eq3A_2 : vector<1024x512xi32>
    %convert_element_type3A = arith.extui %eq3A_3 : vector<1024x512xi1> to vector<1024x512xi32>
    %reduce_sum3A = arith.constant dense<0> : vector<1024xi32>
    %reduce_sum3A_4 = vector.multi_reduction <add>, %convert_element_type3A, %reduce_sum3A [1] : vector<1024x512xi32> to vector<1024xi32>
    %sub3A = arith.constant 512 : i32
    %sub3A_5 = vector.broadcast %sub3A : i32 to vector<1024xi32>
    %sub3A_6 = arith.subi %sub3A_5, %reduce_sum3A_4 : vector<1024xi32>
    %swap3A = arith.constant 0 : index
    %swap3A_7 = vector.load %arg3[%swap3A] : memref<1024xi32, #tpu.memory_space<vmem>>, vector<1024xi32>
    tpu.vector_store %arg3[%swap3A], %sub3A_6 {strides = array<i32>} : memref<1024xi32, #tpu.memory_space<vmem>>, vector<1024xi32>,
    %get3A_8 = arith.constant 1026 : index
    %get3A_9 = arith.constant 0 : index
    %get3A_10 = vector.load %arg2[%get3A_8, %get3A_9] : memref<1027x128xf32, #tpu.memory_space<vmem>>, vector<1x128xf32>
    %get3A_11 = vector.shape_cast %get3A_10 : vector<1x128xf32> to vector<128xf32>
    %broadcast_in_dim3A = vector.shape_cast %get3A_11 : vector<128xf32> to vector<1x128xf32>
    %broadcast_in_dim3A_12 = vector.shape_cast %broadcast_in_dim3A : vector<1x128xf32> to vector<1x128xf32>
    %broadcast_in_dim3A_13 = vector.broadcast %broadcast_in_dim3A_12 : vector<1x128xf32> to vector<512x128xf32>
    %swap3A_14 = arith.constant 0 : index
    %swap3A_15 = arith.constant 0 : index
    %swap3A_16 = vector.load %arg4[%swap3A_14, %swap3A_15] : memref<1024x128xf32, #tpu.memory_space<vmem>>, vector<512x128xf32>
    tpu.vector_store %arg4[%swap3A_14, %swap3A_15], %broadcast_in_dim3A_13 {strides = array<i32>} : memref<1024x128xf32, #tpu.memory_space<vmem>>, vector<512x128xf32>,
    %get3A_17 = arith.constant 0 : index
    %get3A_18 = arith.constant 0 : index
    %get3A_19 = vector.load %arg2[%get3A_17, %get3A_18] : memref<1027x128xf32, #tpu.memory_space<vmem>>, vector<512x128xf32>
    %swap3A_20 = arith.constant 512 : index
    %swap3A_21 = arith.constant 0 : index
    %swap3A_22 = vector.load %arg4[%swap3A_20, %swap3A_21] : memref<1024x128xf32, #tpu.memory_space<vmem>>, vector<512x128xf32>
    tpu.vector_store %arg4[%swap3A_20, %swap3A_21], %get3A_19 {strides = array<i32>} : memref<1024x128xf32, #tpu.memory_space<vmem>>, vector<512x128xf32>,
    return
  }
  func.func @transform_0(%arg0: i32) -> (i32, i32) {
    %c0_i32 = arith.constant 0 : i32
    %c0_i32_0 = arith.constant 0 : i32
    %c0_i32_1 = arith.constant 0 : i32
    return %c0_i32, %c0_i32_0 : i32, i32
  }
  func.func @transform_1(%arg0: i32) -> (i32, i32) {
    %c0_i32 = arith.constant 0 : i32
    %c0_i32_0 = arith.constant 0 : i32
    %c0_i32_1 = arith.constant 0 : i32
    return %c0_i32, %c0_i32_0 : i32, i32
  }
  func.func @transform_2(%arg0: i32) -> i32 {
    %c0_i32 = arith.constant 0 : i32
    %c0_i32_0 = arith.constant 0 : i32
    return %c0_i32 : i32
  }
  func.func @transform_3(%arg0: i32) -> (i32, i32) {
    %c0_i32 = arith.constant 0 : i32
    %c0_i32_0 = arith.constant 0 : i32
    %c0_i32_1 = arith.constant 0 : i32
    return %c0_i32, %c0_i32_0 : i32, i32
  }
}

</mosaic_0001>

<sc_bundles>
// kernel: kernel.4.cloned.1.call-start
scs
__scs_entry_jumppad:
0x0: {  	(pc) =	sbr.rel $0x88, $3  }
0x1: {  	(tag) =	ssettag $0x0;
	lr =	simm.s32 $0x1  }
0x2: {  	[smem:$0x3F9F] =	sst lr;
	_ =	strace $0xD0000000  }
0x3: {  	_ = 	snop  }
0x4: {  	_ = 	snop  }
0x5: {  	_ = 	snop  }
0x6: {  	_ = 	snop  }
0x7: {  	_ = 	snop  }
__scs_overlays_trampoline_lowered:
0x8: {  	[smem:$0x3FAE] =	sst s0  }
0x9: {  	[smem:$0x3FAF] =	sst s1  }
0xa: {  	[smem:$0x3FB0] =	sst s2  }
0xb: {  	[smem:$0x3FB1] =	sst s3  }
0xc: {  	[smem:$0x3FB2] =	sst s4  }
0xd: {  	[smem:$0x3FB3] =	sst s5  }
0xe: {  	[smem:$0x3FB4] =	sst s6  }
0xf: {  	[smem:$0x3FB5] =	sst s7  }
0x10: {  	[smem:$0x3FB6] =	sst s8  }
0x11: {  	[smem:$0x3FB7] =	sst s9;
	s0 =	simm.s32 @!p0 $0x0  }
0x12: {  	s1 =	sld [smem:$0x3F9D];
	s0 =	simm.s32 @p0 $0x1  }
0x13: {  	[smem:$0x3FB8] =	sst s0;
	s0 =	simm.s32 @!p1 $0x0  }
0x14: {  	s2 =	sld [smem:$0x3F9C];
	s0 =	simm.s32 @p1 $0x1  }
0x15: {  	[smem:$0x3FB9] =	sst s0;
	s0 =	simm.s32 @!p2 $0x0  }
0x16: {  	s3 =	sld [smem:$0x3FDB];
	s0 =	simm.s32 @p2 $0x1  }
0x17: {  	s4 =	simm.s32 $0x1BF5;
	[smem:$0x3FBB] =	sst s0  }
0x18: {  	s0 =	sld [smem:$0x3F9E];
	_ =	swait.ge [sflag:s4], $0x0  }
0x19: {  	s7 =	sld [smem:$0x3F9F]  }
0x1a: {  	s8 =	sadd.s32 $0xFFFFE003, lr  }
0x1b: {  	s9 =	sadd.s32 $0xFFFFFEF7, lr;
	s5 =	simm.s32 $0xFFFFFFFF;
	p2 =	slt.u32 s8, $0xFFFFF086  }
0x1c: {  	p1 =	slt.u32 s9, $0xF7A;
	s5 =	simm.s32 @!p2 $0x0  }
0x1d: {  	s5 =	simm.s32 @p1 $0x1;
	p0 =	seq.s32 s7, s2  }
0x1e: {  	s7 =	smul.u32 @!p0 $0xF7A, s2;
	p2 =	seq.s32 @!p0 s5, $0x0  }
0x1f: {  	s9 =	smul.u32 $0xF7A, s1;
	s8 =	simm.s32 @!p0 $0x1BF5;
	p2 =	por !p2, p0  }
0x20: {  	[sflag:s8] =	ssyncset.s32 @!p0 $0xFFFFF086;
	s6 =	sadd.s32 @!p0 s3, s7;
	s7 =	simm.s32 @!p0 $0x108  }
0x21: {  	s3 =	sadd.s32 s3, s9;
	s6 =	sadd.s32 @!p0 $0x88, s6;
	s7 =	simm.s32 @p2 $0x1082  }
0x22: {  	[simem:s7], [sflag:s8] =	dma.local @!p0 [hbm:s6], $0xF7A  }
0x23: {  	s9 =	sor.u32 $0xD0000000, s2;
	s6 =	simm.s32 $0x108;
	_ =	swait.ge @!p0 [sflag:s8], $0x0  }
0x24: {  	s3 =	sadd.s32 $0x88, s3;
	s6 =	simm.s32 @!p1 $0x1082;
	[sflag:s4] =	ssyncset.s32 $0xFFFFF086  }
0x25: {  	[simem:s6], [sflag:s4] =	dma.local [hbm:s3], $0xF7A  }
0x26: {  	[smem:$0x3F9F] =	sst s1;
	(tag) =	ssettag s2;
	_ =	strace s9  }
0x27: {  	s1 =	sld [smem:$0x3FAF]  }
0x28: {  	s2 =	sld [smem:$0x3FB0]  }
0x29: {  	s4 =	sld [smem:$0x3FB2]  }
0x2a: {  	p0 =	seq.s32 s5, $0x0;
	s5 =	sld [smem:$0x3FB3]  }
0x2b: {  	s6 =	sld [smem:$0x3FB4]  }
0x2c: {  	s7 =	sld [smem:$0x3FB5]  }
0x2d: {  	s3 =	simm.s32 $0x108;
	s8 =	sld [smem:$0x3FB6]  }
0x2e: {  	s3 =	simm.s32 @!p0 $0x1082;
	s9 =	sld [smem:$0x3FB7]  }
0x2f: {  	lr =	sadd.s32 s0, s3;
	s0 =	sld [smem:$0x3FAE]  }
0x30: {  	s3 =	sld [smem:$0x3FB1]  }
0x31: {  	[smem:$0x3FBA] =	sst s10  }
0x32: {  	s10 =	sld [smem:$0x3FB8];
	_ =	sdelay $0x3  }
0x33: {  	p0 =	seq.s32 s10, $0x1;
	s10 =	sld [smem:$0x3FBA];
	_ =	sdelay $0x3  }
0x34: {  	[smem:$0x3FBA] =	sst s10  }
0x35: {  	s10 =	sld [smem:$0x3FB9];
	_ =	sdelay $0x3  }
0x36: {  	p1 =	seq.s32 s10, $0x1;
	s10 =	sld [smem:$0x3FBA];
	_ =	sdelay $0x3  }
0x37: {  	[smem:$0x3FBA] =	sst s10  }
0x38: {  	s10 =	sld [smem:$0x3FBB]  }
0x39: {  	_ = 	snop;
	(pc) =	sbr.ind lr, $3  }
0x3a: {  	_ = 	snop  }
0x3b: {  	_ = 	snop  }
0x3c: {  	p2 =	seq.s32 s10, $0x1;
	s10 =	sld [smem:$0x3FBA]  }
0x3d: {  	_ =	shalt  }
0x3e: {  	_ =	shalt  }
0x3f: {  	_ =	shalt  }
0x40: {  	_ =	shalt  }
0x41: {  	_ =	shalt  }
0x42: {  	_ =	shalt  }
0x43: {  	_ =	shalt  }
0x44: {  	_ =	shalt  }
0x45: {  	_ =	shalt  }
0x46: {  	_ =	shalt  }
0x47: {  	_ =	shalt  }
0x48: {  	_ =	shalt  }
0x49: {  	_ =	shalt  }
0x4a: {  	_ =	shalt  }
0x4b: {  	_ =	shalt  }
0x4c: {  	_ =	shalt  }
0x4d: {  	_ =	shalt  }
0x4e: {  	_ =	shalt  }
0x4f: {  	_ =	shalt  }
0x50: {  	_ =	shalt  }
0x51: {  	_ =	shalt  }
0x52: {  	_ =	shalt  }
0x53: {  	_ =	shalt  }
0x54: {  	_ =	shalt  }
0x55: {  	_ =	shalt  }
0x56: {  	_ =	shalt  }
0x57: {  	_ =	shalt  }
0x58: {  	_ =	shalt  }
0x59: {  	_ =	shalt  }
0x5a: {  	_ =	shalt  }
0x5b: {  	_ =	shalt  }
0x5c: {  	_ =	shalt  }
0x5d: {  	_ =	shalt  }
0x5e: {  	_ =	shalt  }
0x5f: {  	_ =	shalt  }
0x60: {  	_ =	shalt  }
0x61: {  	_ =	shalt  }
0x62: {  	_ =	shalt  }
0x63: {  	_ =	shalt  }
0x64: {  	_ =	shalt  }
0x65: {  	_ =	shalt  }
0x66: {  	_ =	shalt  }
0x67: {  	_ =	shalt  }
0x68: {  	_ =	shalt  }
0x69: {  	_ =	shalt  }
0x6a: {  	_ =	shalt  }
0x6b: {  	_ =	shalt  }
0x6c: {  	_ =	shalt  }
0x6d: {  	_ =	shalt  }
0x6e: {  	_ =	shalt  }
0x6f: {  	_ =	shalt  }
0x70: {  	_ =	shalt  }
0x71: {  	_ =	shalt  }
0x72: {  	_ =	shalt  }
0x73: {  	_ =	shalt  }
0x74: {  	_ =	shalt  }
0x75: {  	_ =	shalt  }
0x76: {  	_ =	shalt  }
0x77: {  	_ =	shalt  }
0x78: {  	_ =	shalt  }
0x79: {  	_ =	shalt  }
0x7a: {  	_ =	shalt  }
0x7b: {  	_ =	shalt  }
0x7c: {  	_ =	shalt  }
0x7d: {  	_ =	shalt  }
0x7e: {  	_ =	shalt  }
0x7f: {  	_ =	shalt  }
0x80: {  	_ =	shalt  }
0x81: {  	_ =	shalt  }
0x82: {  	_ =	shalt  }
0x83: {  	_ =	shalt  }
0x84: {  	_ =	shalt  }
0x85: {  	_ =	shalt  }
0x86: {  	_ =	shalt  }
0x87: {  	_ =	shalt  }
.Lfunc_end0:
.L_simem_size_0:
called_computation_lowered:
.L_overlay_start_0:
0x88: {  	s2 =	sld [smem:$0x3FD9]  }
0x89: {  	s3 =	sld [smem:$0x3FFE];
	_ =	sdelay $0x1  }
0x8a: {  	s1 =	srdreg.scid  }
0x8b: {  	s0 =	sand.u32 $0x1, s1  }
0x8c: {  	s17 =	sshll.u32 s0, $0xA;
	s2 =	sadd.s32 s3, s2  }
0x8d: {  	s2 =	sadd.s32 s2, s17  }
0x8e: {  	[smem:$0x3FC6] =	sst s2  }
0x8f: {  	_ = 	snop  }
0x90: {  	s2 =	sld [smem:$0x3FD0];
	(tm) =	ssettm $0x1  }
0x91: {  	s18 =	sld [smem:$0x3FFB];
	_ =	sdelay $0x3  }
0x92: {  	_ =	strace s18  }
0x93: {  	s3 =	sld [smem:$0x3FFC];
	_ =	sdelay $0x3  }
0x94: {  	_ =	strace s3  }
0x95: {  	s3 =	sld [smem:$0x3FFD];
	_ =	sdelay $0x3  }
0x96: {  	_ =	strace s3  }
0x97: {  	_ =	strace $0x8FFFFFFF  }
0x98: {  	s19 =	sld [smem:$0x3FDB];
	_ =	sdelay $0x1  }
0x99: {  	s4 =	simm.s32 $_scs_section_size  }
0x9a: {  	s5 =	simm.s32 $_size__tile_overlayer_lowered;
	s6 =	simm.s32 $_tile_overlayer_lowered  }
0x9b: {  	s22 =	simm.s32 $0x1BFF;
	s21 =	sshll.u32 s6, $0x1;
	s3 =	sadd.s32 s4, s19  }
0x9c: {  	s7 =	simm.s32 $0x0;
	s20 =	sshll.u32 s5, $0x1;
	s5 =	sadd.s32 s21, s3  }
0x9d: {  	[timem:s7], [sflag:s22] =	dma.local [hbm:s5], s20  }
0x9e: {  	_ =	swait.ge [sflag:s22], s20  }
0x9f: {  	s4 =	ssub.s32 $0x0, s20;
	[sflag:s22] =	ssyncset.done $0x0  }
0xa0: {  	[sflag:s22] =	ssyncadd.s32 s4;
	_ =	sdelay $0x1  }
0xa1: {  	s23 =	simm.s32 $0x1B8B  }
0xa2: {  	_ =	swait.ge [sflag:s23], $0x1  }
0xa3: {  	[sflag:s23] =	ssyncset.done $0x0  }
0xa4: {  	s25 =	simm.s32 $0x1B8E;
	s24 =	sld [smem:$0x3FFE];
	[sflag:s23] =	ssyncadd.s32 $0xFFFFFFFF  }
0xa5: {  	s26 =	simm.s32 $execute0_lowered;
	[smem:$0x3FD2] =	sst s25  }
0xa6: {  	s5 =	sshll.u32 s26, $0x1;
	_ =	strace $0x80000046;
	[dreg:$0x1] =	wrdreg $0xFFFFFFFF  }
0xa7: {  	s28 =	simm.s32 $_size_execute0_lowered;
	s3 =	sadd.s32 s3, s5;
	[dreg:$0x0] =	wrdreg $0x0  }
0xa8: {  	s5 =	sshll.u32 s28, $0x1;
	[dreg:$0x2] =	wrdreg s3  }
0xa9: {  	[dreg:$0x3] =	wrdreg s5  }
0xaa: {  	[dreg:$0x4] =	wrdreg $0xC0  }
0xab: {  	_ =	task [dreg:s7], $0x5FFFF  }
0xac: {  	[dreg:$0x1] =	wrdreg $0xFFFFFFFF  }
0xad: {  	[dreg:$0x0] =	wrdreg $0x60  }
0xae: {  	[dreg:$0x2] =	wrdreg s24  }
0xaf: {  	[dreg:$0x3] =	wrdreg s2  }
0xb0: {  	[dreg:$0x4] =	wrdreg $0x0  }
0xb1: {  	[dreg:$0x5] =	wrdreg $0x9  }
0xb2: {  	_ =	task.clear_ibuf [dreg:s7], $0x6FFFF;
	_ =	strace $0x90000046  }
0xb3: {  	s29 =	simm.s32 $0x9;
	_ =	strace $0x80000048  }
0xb4: {  	_ =	swait.ge [sflag:s29], $0x1  }
0xb5: {  	[sflag:s29] =	ssyncadd.s32 $0xFFFFFFFF  }
0xb6: {  	_ =	strace $0x90000048  }
0xb7: {  	_ =	sfence  }
0xb8: {  	s30 =	sld [smem:$0x0];
	_ =	sdelay $0x2  }
0xb9: {  	s31 =	sshll.u32 s1, $0xD;
	s1 =	sshrl.u32 s1, $0x2  }
0xba: {  	s3 =	sand.u32 $0x4000, s31;
	s1 =	sadd.s32 s1, s30  }
0xbb: {  	s0 =	sor.u32 s3, s0;
	s1 =	sshll.u32 s1, $0x11  }
0xbc: {  	s0 =	sor.u32 s1, s0  }
0xbd: {  	s0 =	sadd.s32 $0x8F2B, s0  }
0xbe: {  	[sflag:s0] =	ssyncadd.remote.s32 $0x1  }
0xbf: {  	_ =	sfence.sel $0xFFFF  }
0xc0: {  	[dreg:$0x0] =	wrdreg $0xFFFFFFFF;
	(pc) =	sbr.abs _section_cstart, $3  }
0xc1: {  	[dreg:$0x1] =	wrdreg $0xFFFFFFFF  }
0xc2: {  	_ =	task.clear_ibuf [dreg:s7], $0x2FFFF;
	_ =	strace $0x9FFFFFFF  }
0xc3: {  	(tm) =	ssettm $0x7FFFFFFF  }
tec
execute0_lowered:
.L_overlay_start_1:
0x0: {  	(tag) =	ssettag $0x1  }
0x1: {  	s4 =	rddreg [dreg:$0x0]  }
0x2: {  	s7 =	rddreg [dreg:$0x1]  }
0x3: {  	s1 =	rddreg [dreg:$0x2]  }
0x4: {  	s0 =	rddreg [dreg:$0x3];
	s3 =	srdreg.scid  }
0x5: {  	s2 =	simm.s32 $0x0;
	s12 =	stileid.u32;
	s10 =	simm.s32 $0x1E000  }
0x6: {  	s11 =	simm.s32 $0x2;
	s14 =	simm.s32 $0x0;
	s8 =	sand.u32 $0x1, s3  }
0x7: {  	[smem:$0x7FF] =	sst s2;
	s5 =	sshll.u32 s12, $0x5;
	s31 =	sshll.u32 s12, $0x12  }
0x8: {  	p0 =	sne.s32 s12, $0x0;
	s13 =	sshll.u32 s12, $0x6;
	s12 =	simm.s32 $0x1  }
0x9: {  	s3 =	sshll.u32 s8, $0x9;
	_ =	strace $0x80000047;
	s6 =	ssub.s32 $0x2, s8  }
0xa: {  	s8 =	sshll.u32 s8, $0x16;
	s13 =	sor.u32 $0x1C02, s13;
	s5 =	sor.u32 s5, s3  }
0xb: {  	s3 =	sadd.s32 $0xE00, s4;
	s9 =	sshrl.u32 s6, $0x1;
	s7 =	sadd.s32 s8, s7  }
0xc: {  	s8 =	sshrl.u32 @!p0 s1, $0x3;
	s5 =	sshrl.u32 s5, $0x3;
	s6 =	ssub.s32 s6, s9  }
0xd: {  	s7 =	sadd.s32 s31, s7;
	s9 =	simm.s32 $0x2000;
	s5 =	sadd.s32 s5, s4  }
0xe: {  	v0 =	vlaneseq.u32;
	s4 =	sadd.s32 $0x1600, s4;
	s6 =	smax.u32 s6, $0x1;
	s5 =	sadd.s32 $0x4E00, s5  }
.LBB2_1:
0xf: {  	s15 =	simm.s32 @!p0 $0x1C01  }
0x10: {  	[spmem:s8], [sflag:s15] =	dma.local @!p0 [hbm:s3], $0x4000  }
0x11: {  	[tilespmem:s9], [sflag:$0x1] =	stream.linear.gather [hbm4b:s4+s2], $0x1C000, $0x38;
	[tilespmem:$0x1E080] =	vst v63  }
0x12: {  	_ = 	snop  }
0x13: {  	[tilespmem:s10], [sflag:$0x2] =	stream.linear.gather [hbm4b:s5+s2], $0x20, $0x38;
	[tilespmem:$0x1E080] =	vst v63  }
0x14: {  	_ =	swait.ge [sflag:s11], $0x20  }
0x15: {  	[sflag:s11] =	ssyncset.done $0x0  }
0x16: {  	s15 =	simm.s32 @!p0 $0x1;
	[sflag:s11] =	ssyncadd.s32 $0xFFFFFFE0  }
0x17: {  	_ =	swait.ge @!p0 [sflag:s15], $0x4000  }
0x18: {  	[sflag:s15] =	ssyncset.done @!p0 $0x0  }
0x19: {  	[sflag:s15] =	ssyncadd.s32 @!p0 $0xFFFFC000  }
0x1a: {  	_ =	swait.ge [sflag:s12], $0x1C000  }
0x1b: {  	[sflag:s12] =	ssyncset.done $0x0  }
0x1c: {  	s16 =	simm.s32 $0x0;
	[sflag:s12] =	ssyncadd.s32 $0xFFFE4000  }
0x1d: {  	s17 =	simm.s32 $0x0;
	s15 =	smov.u32 s7;
	[bflag:$0x0] =	sbarrier.arrive $0xFFFF  }
.LBB2_2:
0x1e: {  	s18 =	sand.u32 $0x40, s16  }
0x1f: {  	s18 =	sshrl.u32 s18, $0x2  }
0x20: {  	v1 =	vld [tilespmem:s18+$0x1E000];
	_ =	sdelay $0x1  }
0x21: {  	s31 =	sand.u32 $0xF, s17  }
0x22: {  	v2 =	vmov s31  }
0x23: {  	vm0 =	veq.s32 v2, v0  }
0x24: {  	v1 =	vnsel vm0, $0x0, v1  }
0x25: {  	(xrf0) =	vadd.scan.msk.s32 $0xffff, v1;
	_ =	sdelay $0x5  }
0x26: {  	v1, _, _ =	vpop (xrf0)  }
0x27: {  	(v2sf) =	vpush v1, $0xF;
	_ =	sdelay $0xe  }
0x28: {  	p1 =	slt.u32 s17, $0x17;
	s18 =	spop (v2sf)  }
0x29: {  	p2 =	slt.s32 @!p1 s18, $0x80  }
0x2a: {  	p2 =	por p2, p1  }
0x2b: {  	s19 =	sshll.u32 @!p2 s18, $0x9  }
0x2c: {  	s19 =	sshra.s32 @!p2 s19, $0x2  }
0x2d: {  	s20 =	simm.s32 @!p2 $0x0;
	s19 =	sadd.s32 @!p2 $0xFFFFE000, s19  }
0x2e: {  	[hbm4b:s15+s20] =	stream.linear.scatter @!p2 [tilespmem:s19], [sflag:$0x2], $0x10000, $0x38;
	[tilespmem:$0x1E080] =	vst v63  }
0x2f: {  	p2 =	sgt.s32 @!p1 s18, $0x7F  }
0x30: {  	p1 =	por p1, !p2  }
0x31: {  	s18 =	sshll.u32 @p1 s18, $0x9  }
0x32: {  	s18 =	sshra.s32 @p1 s18, $0x2  }
0x33: {  	s18 =	sadd.s32 @p1 s18, s1  }
0x34: {  	s17 =	sadd.s32 $0x1, s17;
	s18 =	sshrl.u32 @p1 s18, $0x3  }
0x35: {  	[hbm:s15], [sflag:s13] =	dma.local @p1 [spmem:s18], $0x2000  }
0x36: {  	p1 =	sne.s32 s17, $0x20  }
.Ltmp0:
0x37: {  	_ = 	snop;
	(pc) =	sbr.rel @p1 .LBB2_2-.Ltmp0, $2  }
0x38: {  	_ =	sdelay $0x2  }
0x39: {  	s16 =	sadd.s32 $0x4, s16;
	s15 =	sadd.s32 $0x2000, s15  }
0x3a: {  	_ =	swait.ge [sflag:s11], $0x2000  }
0x3b: {  	[sflag:s11] =	ssyncset.done $0x0  }
0x3c: {  	[sflag:s11] =	ssyncadd.s32 $0xFFFFE000  }
0x3d: {  	_ =	swait.ge [sflag:s11], $0x2000  }
0x3e: {  	[sflag:s11] =	ssyncset.done $0x0  }
0x3f: {  	[sflag:s11] =	ssyncadd.s32 $0xFFFFE000  }
0x40: {  	_ =	swait.ge [sflag:s11], $0x2000  }
0x41: {  	[sflag:s11] =	ssyncset.done $0x0  }
0x42: {  	[sflag:s11] =	ssyncadd.s32 $0xFFFFE000  }
0x43: {  	_ =	swait.ge [sflag:s11], $0x2000  }
0x44: {  	[sflag:s11] =	ssyncset.done $0x0  }
0x45: {  	[sflag:s11] =	ssyncadd.s32 $0xFFFFE000  }
0x46: {  	_ =	swait.ge [sflag:s11], $0x2000  }
0x47: {  	[sflag:s11] =	ssyncset.done $0x0  }
0x48: {  	[sflag:s11] =	ssyncadd.s32 $0xFFFFE000  }
0x49: {  	_ =	swait.ge [sflag:s11], $0x2000  }
0x4a: {  	[sflag:s11] =	ssyncset.done $0x0  }
0x4b: {  	[sflag:s11] =	ssyncadd.s32 $0xFFFFE000  }
0x4c: {  	_ =	swait.ge [sflag:s11], $0x2000  }
0x4d: {  	[sflag:s11] =	ssyncset.done $0x0  }
0x4e: {  	[sflag:s11] =	ssyncadd.s32 $0xFFFFE000  }
0x4f: {  	_ =	swait.ge [sflag:s11], $0x2000  }
0x50: {  	[sflag:s11] =	ssyncset.done $0x0  }
0x51: {  	[sflag:s11] =	ssyncadd.s32 $0xFFFFE000  }
0x52: {  	_ =	swait.ge [sflag:s11], $0x2000  }
0x53: {  	[sflag:s11] =	ssyncset.done $0x0  }
0x54: {  	[sflag:s11] =	ssyncadd.s32 $0xFFFFE000  }
0x55: {  	_ =	swait.ge [sflag:s11], $0x2000  }
0x56: {  	[sflag:s11] =	ssyncset.done $0x0  }
0x57: {  	[sflag:s11] =	ssyncadd.s32 $0xFFFFE000  }
0x58: {  	_ =	swait.ge [sflag:s11], $0x2000  }
0x59: {  	[sflag:s11] =	ssyncset.done $0x0  }
0x5a: {  	[sflag:s11] =	ssyncadd.s32 $0xFFFFE000  }
0x5b: {  	_ =	swait.ge [sflag:s11], $0x2000  }
0x5c: {  	[sflag:s11] =	ssyncset.done $0x0  }
0x5d: {  	[sflag:s11] =	ssyncadd.s32 $0xFFFFE000  }
0x5e: {  	_ =	swait.ge [sflag:s11], $0x2000  }
0x5f: {  	[sflag:s11] =	ssyncset.done $0x0  }
0x60: {  	[sflag:s11] =	ssyncadd.s32 $0xFFFFE000  }
0x61: {  	_ =	swait.ge [sflag:s11], $0x2000  }
0x62: {  	[sflag:s11] =	ssyncset.done $0x0  }
0x63: {  	[sflag:s11] =	ssyncadd.s32 $0xFFFFE000  }
0x64: {  	_ =	swait.ge [sflag:s11], $0x2000  }
0x65: {  	[sflag:s11] =	ssyncset.done $0x0  }
0x66: {  	[sflag:s11] =	ssyncadd.s32 $0xFFFFE000  }
0x67: {  	_ =	swait.ge [sflag:s11], $0x2000  }
0x68: {  	[sflag:s11] =	ssyncset.done $0x0  }
0x69: {  	[sflag:s11] =	ssyncadd.s32 $0xFFFFE000  }
0x6a: {  	_ =	swait.ge [sflag:s11], $0x2000  }
0x6b: {  	[sflag:s11] =	ssyncset.done $0x0  }
0x6c: {  	[sflag:s11] =	ssyncadd.s32 $0xFFFFE000  }
0x6d: {  	_ =	swait.ge [sflag:s11], $0x2000  }
0x6e: {  	[sflag:s11] =	ssyncset.done $0x0  }
0x6f: {  	[sflag:s11] =	ssyncadd.s32 $0xFFFFE000  }
0x70: {  	_ =	swait.ge [sflag:s11], $0x2000  }
0x71: {  	[sflag:s11] =	ssyncset.done $0x0  }
0x72: {  	[sflag:s11] =	ssyncadd.s32 $0xFFFFE000  }
0x73: {  	_ =	swait.ge [sflag:s11], $0x2000  }
0x74: {  	[sflag:s11] =	ssyncset.done $0x0  }
0x75: {  	[sflag:s11] =	ssyncadd.s32 $0xFFFFE000  }
0x76: {  	_ =	swait.ge [sflag:s11], $0x2000  }
0x77: {  	[sflag:s11] =	ssyncset.done $0x0  }
0x78: {  	[sflag:s11] =	ssyncadd.s32 $0xFFFFE000  }
0x79: {  	_ =	swait.ge [sflag:s11], $0x2000  }
0x7a: {  	[sflag:s11] =	ssyncset.done $0x0  }
0x7b: {  	[sflag:s11] =	ssyncadd.s32 $0xFFFFE000  }
0x7c: {  	_ =	swait.ge [sflag:s11], $0x2000  }
0x7d: {  	[sflag:s11] =	ssyncset.done $0x0  }
0x7e: {  	[sflag:s11] =	ssyncadd.s32 $0xFFFFE000  }
0x7f: {  	_ =	swait.ge [sflag:s11], $0x2000  }
0x80: {  	[sflag:s11] =	ssyncset.done $0x0  }
0x81: {  	[sflag:s11] =	ssyncadd.s32 $0xFFFFE000  }
0x82: {  	_ =	swait.ge [sflag:s11], $0x2000  }
0x83: {  	[sflag:s11] =	ssyncset.done $0x0  }
0x84: {  	[sflag:s11] =	ssyncadd.s32 $0xFFFFE000  }
0x85: {  	_ =	swait.ge [sflag:s11], $0x2000  }
0x86: {  	[sflag:s11] =	ssyncset.done $0x0  }
0x87: {  	[sflag:s11] =	ssyncadd.s32 $0xFFFFE000  }
0x88: {  	_ =	swait.ge [sflag:s11], $0x2000  }
0x89: {  	[sflag:s11] =	ssyncset.done $0x0  }
0x8a: {  	[sflag:s11] =	ssyncadd.s32 $0xFFFFE000  }
0x8b: {  	_ =	swait.ge [sflag:s11], $0x2000  }
0x8c: {  	[sflag:s11] =	ssyncset.done $0x0  }
0x8d: {  	[sflag:s11] =	ssyncadd.s32 $0xFFFFE000  }
0x8e: {  	_ =	swait.ge [sflag:s11], $0x2000  }
0x8f: {  	[sflag:s11] =	ssyncset.done $0x0  }
0x90: {  	[sflag:s11] =	ssyncadd.s32 $0xFFFFE000  }
0x91: {  	_ =	swait.ge [sflag:s11], $0x2000  }
0x92: {  	[sflag:s11] =	ssyncset.done $0x0  }
0x93: {  	s14 =	sadd.s32 $0x1, s14;
	[sflag:s11] =	ssyncadd.s32 $0xFFFFE000  }
0x94: {  	p1 =	sne.s32 s14, s6;
	_ =	swait.ge [sflag:s11], $0x2000  }
.Ltmp1:
0x95: {  	[sflag:s11] =	ssyncset.done $0x0;
	(pc) =	sbr.rel @p1 .LBB2_1-.Ltmp1, $4  }
0x96: {  	[sflag:s11] =	ssyncadd.s32 $0xFFFFE000  }
0x97: {  	_ =	swait.ge [sflag:s11], $0x2000  }
0x98: {  	[sflag:s11] =	ssyncset.done $0x0  }
0x99: {  	[sflag:s11] =	ssyncadd.s32 $0xFFFFE000  }
0x9a: {  	_ =	sfence.sel $0x180000  }
0x9b: {  	[bflag:$0x0] =	sbarrier.arrive $0xFFFF  }
0x9c: {  	_ =	strace $0x90000047  }
0x9d: {  	s0 =	sadd.s32 @!p0 $0x100000, s0;
	[bflag:$0x2] =	sbarrier.arrive $0xFFFF  }
0x9e: {  	[sflag:s0] =	ssyncadd.tile.s32 @!p0 $0x1;
	_ =	shalt  }
.Lfunc_end2:
_tile_overlayer_lowered:
.L_overlay_start_2:
0x9f: {  	(tag) =	ssettag $0x2  }
0xa0: {  	s0 =	rddreg [dreg:$0x0];
	s2 =	stileid.u32  }
0xa1: {  	s1 =	rddreg [dreg:$0x1];
	p0 =	sne.s32 s2, $0x0  }
0xa2: {  	s3 =	rddreg [dreg:$0x2];
	[bflag:$0x3] =	sbarrier.arrive $0xFFFF;
	s2 =	simm.s32 @!p0 $0x1C03  }
0xa3: {  	[timem:s3], [sflag:s2] =	dma.local @!p0 [hbm:s0], s1  }
0xa4: {  	s0 =	simm.s32 @!p0 $0x3  }
0xa5: {  	_ =	swait.ge @!p0 [sflag:s0], s1  }
0xa6: {  	s1 =	ssub.s32 @!p0 $0x0, s1;
	[sflag:s0] =	ssyncset.done @!p0 $0x0  }
0xa7: {  	[sflag:s0] =	ssyncadd.s32 @!p0 s1  }
0xa8: {  	[bflag:$0x3] =	sbarrier.arrive $0xFFFF  }
0xa9: {  	_ =	shalt  }

</sc_bundles>
